<compile_context>
chip_gen: v7x
topology: tpu7x:2x2x1
jax: 0.10.2.dev20260603
libtpu: 0.0.44.dev20260713+nightly
codegen_flags: <defaults>
</compile_context>

<pallas_src>
import functools

import jax
import jax.numpy as jnp
from jax import lax
from jax.experimental import pallas as pl
from jax.experimental.pallas import tpu as pltpu
from jax.experimental.pallas import tpu_sc as plsc

_LANES = 16


@functools.lru_cache(maxsize=None)
def _make_sc_pool(B, S, V, D, CH):
    info = plsc.get_sparse_core_info()
    NC, NS = info.num_cores, info.num_subcores
    NW = NC * NS
    assert B % NW == 0 and S % CH == 0 and D % _LANES == 0
    rpw = B // NW
    cpr = S // CH
    nvec = D // _LANES
    assert cpr == 2, "row body is written for 2 chunks/row"
    inv_s = 1.0 / float(S)

    mesh = plsc.VectorSubcoreMesh(core_axis_name="c", subcore_axis_name="s")

    @functools.partial(
        pl.kernel,
        out_type=jax.ShapeDtypeStruct((B, D), jnp.float32),
        mesh=mesh,
        scratch_types=[
            pltpu.VMEM((rpw * cpr, CH), jnp.int32),
            pltpu.VMEM((CH, D), jnp.float32),
            pltpu.VMEM((CH, D), jnp.float32),
            pltpu.VMEM((rpw, D), jnp.float32),
            pltpu.SemaphoreType.DMA,
            pltpu.SemaphoreType.DMA,
        ],
        compiler_params=pltpu.CompilerParams(use_tc_tiling_on_sc=False),
    )
    def sc_pool(x_hbm, table_hbm, out_hbm, idx_v, buf0, buf1, pooled_v,
                sem0, sem1):
        wid = lax.axis_index("s") * NC + lax.axis_index("c")
        base = wid * rpw
        pltpu.sync_copy(x_hbm.at[pl.ds(base * cpr, rpw * cpr)], idx_v)

        def row_body(r, _):
            c0 = pltpu.async_copy(table_hbm.at[idx_v.at[cpr * r]], buf0, sem0)
            c1 = pltpu.async_copy(table_hbm.at[idx_v.at[cpr * r + 1]], buf1,
                                  sem1)
            c0.wait()
            c1.wait()

            def acc_body(l, accs):
                return tuple(
                    accs[k]
                    + buf0[l, pl.ds(_LANES * k, _LANES)]
                    + buf1[l, pl.ds(_LANES * k, _LANES)]
                    for k in range(nvec)
                )

            accs = lax.fori_loop(
                0, CH, acc_body,
                tuple(jnp.zeros((_LANES,), jnp.float32) for _ in range(nvec)))
            for k in range(nvec):
                pooled_v[r, pl.ds(_LANES * k, _LANES)] = accs[k] * inv_s
            return 0

        lax.fori_loop(0, rpw, row_body, 0)
        pltpu.sync_copy(pooled_v, out_hbm.at[pl.ds(base, rpw)])

    return sc_pool


def _proj_body(p_ref, w_ref, b_ref, o_ref):
    o_ref[...] = (
        lax.dot_general(p_ref[...], w_ref[...], (((1,), (1,)), ((), ())),
                        preferred_element_type=jnp.float32)
        + b_ref[...]
    )


@functools.lru_cache(maxsize=None)
def _make_proj(B, D, C):
    return pl.pallas_call(
        _proj_body,
        out_shape=jax.ShapeDtypeStruct((B, C), jnp.float32),
    )


@jax.jit
def kernel(x, emb_table, W, b):
    B, S = x.shape
    V, D = emb_table.shape
    C = W.shape[0]
    CH = 100
    x2 = x.astype(jnp.int32).reshape(B * S // CH, CH)
    pooled = _make_sc_pool(B, S, V, D, CH)(x2, emb_table)
    return _make_proj(B, D, C)(pooled, W, b.reshape(1, C))

# --- scband reference (transcript-rebuilt; emitter-appended) ---
"""Pipeline reference for scband-transformer-68126771249455 (READ-ONLY COPY).

The authoritative reference and input builder live on the scoring server;
editing this copy changes nothing except your own understanding.
"""

import jax, jax.numpy as jnp
import numpy as np

VOCAB = 1000000
EMB_DIM = 64
N_CLASSES = 2
BATCH = 4096
SEQ = 200

def setup_inputs(seed: int = 0) -> dict:
    key = jax.random.key(seed)
    k1, k2, k3, k4 = jax.random.split(key, 4)
    x = jax.random.randint(k1, (BATCH, SEQ), 0, VOCAB, dtype=jnp.int64 if jax.config.jax_enable_x64 else jnp.int32)
    emb_table = jax.random.normal(k2, (VOCAB, EMB_DIM), dtype=jnp.float32)
    W = jax.random.normal(k3, (N_CLASSES, EMB_DIM), dtype=jnp.float32) * (1.0 / np.sqrt(EMB_DIM))
    b = jax.random.normal(k4, (N_CLASSES,), dtype=jnp.float32) * 0.01
    return {"x": x, "emb_table": emb_table, "W": W, "b": b}

def reference(x, emb_table, W, b):
    # embedding lookup: [B, L] -> [B, L, D]
    embedded = jnp.take(emb_table, x, axis=0)
    # AdaptiveAvgPool1d(1) over the sequence dimension == mean over L
    pooled = jnp.mean(embedded, axis=1)  # [B, D]
    # linear projection to n_classes
    projected = pooled @ W.T + b  # [B, n_classes]
    return projected

if __name__ == "__main__":
    import jax
    _d = setup_inputs()
    print(jax.jit(kernel)(*tuple(_d.values())))

</pallas_src>

<mosaic_0001>
#map = affine_map<(d0, d1) -> (0, 0)>
module attributes {stable_mosaic.version = 14 : i64} {
  func.func @sc_pool(%arg0: i32, %arg1: i32, %arg2: memref<8192x100xi32, #tpu.memory_space<hbm>>, %arg3: memref<1000000x64xf32, #tpu.memory_space<hbm>>, %arg4: memref<4096x64xf32, #tpu.memory_space<hbm>>, %arg5: memref<256x100xi32, #tpu.memory_space<vmem>>, %arg6: memref<100x64xf32, #tpu.memory_space<vmem>>, %arg7: memref<100x64xf32, #tpu.memory_space<vmem>>, %arg8: memref<128x64xf32, #tpu.memory_space<vmem>>, %arg9: memref<!tpu.dma_semaphore, #tpu.memory_space<semaphore_mem>>, %arg10: memref<!tpu.dma_semaphore, #tpu.memory_space<semaphore_mem>>) attributes {dimension_semantics = [#tpu.dimension_semantics<core_parallel>, #tpu.dimension_semantics<subcore_parallel>], iteration_bounds = array<i64: 2, 16>, scalar_prefetch = 0 : i64, scratch_operands = 6 : i64, tpu.core_type = #tpu.core_type<sc_vector_subcore>, window_params = [{transform_indices = #map}, {transform_indices = #map}, {transform_indices = #map}]} {
    %mul3A = arith.constant 2 : i32
    %mul3A_0 = arith.muli %arg1, %mul3A : i32
    %add3A = arith.addi %mul3A_0, %arg0 : i32
    %mul3A_1 = arith.constant 128 : i32
    %mul3A_2 = arith.muli %add3A, %mul3A_1 : i32
    %mul3A_3 = arith.constant 2 : i32
    %mul3A_4 = arith.muli %mul3A_2, %mul3A_3 : i32
    "tpu.region"() ({
      %run_scoped3A = tpu.sem_alloc : memref<!tpu.dma_semaphore, #tpu.memory_space<semaphore_mem>>
      %dma_start3A = arith.constant 0 : i32
      %dma_start3A_11 = tpu.memref_slice %arg2[%mul3A_4, %dma_start3A] : memref<8192x100xi32, #tpu.memory_space<hbm>> -> memref<256x100xi32, #tpu.memory_space<hbm>>
      %dma_start3A_12 = arith.constant 0 : i32
      %dma_start3A_13 = tpu.memref_slice %arg2[%mul3A_4, %dma_start3A_12] : memref<8192x100xi32, #tpu.memory_space<hbm>> -> memref<256x100xi32, #tpu.memory_space<hbm>>
      tpu.enqueue_dma source(%dma_start3A_13 : memref<256x100xi32, #tpu.memory_space<hbm>>) target(%arg5 : memref<256x100xi32, #tpu.memory_space<vmem>>) target_semaphore(%run_scoped3A : memref<!tpu.dma_semaphore, #tpu.memory_space<semaphore_mem>>)
      %dma_wait3A = arith.constant 0 : i32
      %dma_wait3A_14 = tpu.memref_slice %arg2[%mul3A_4, %dma_wait3A] : memref<8192x100xi32, #tpu.memory_space<hbm>> -> memref<256x100xi32, #tpu.memory_space<hbm>>
      %dma_wait3A_15 = arith.constant 0 : i32
      %dma_wait3A_16 = tpu.memref_slice %arg2[%mul3A_4, %dma_wait3A_15] : memref<8192x100xi32, #tpu.memory_space<hbm>> -> memref<256x100xi32, #tpu.memory_space<hbm>>
      tpu.wait_dma2 semaphore(%run_scoped3A : memref<!tpu.dma_semaphore, #tpu.memory_space<semaphore_mem>>) src(%dma_wait3A_16 : memref<256x100xi32, #tpu.memory_space<hbm>>) dst(%arg5 : memref<256x100xi32, #tpu.memory_space<vmem>>)
      tpu.yield
    }) : () -> ()
    %scan3A = arith.constant 0 : i32
    %scan3A_5 = arith.constant 0 : i32
    %scan3A_6 = arith.constant 128 : i32
    %scan3A_7 = arith.addi %scan3A_5, %scan3A_6 : i32
    %scan3A_8 = arith.constant 1 : i32
    %scan3A_9 = scf.for %scan3A_11 = %scan3A_5 to %scan3A_7 step %scan3A_8 iter_args(%scan3A_12 = %scan3A) -> (i32)  : i32 {
      %mul3A_13 = arith.constant 2 : i32
      %mul3A_14 = arith.muli %mul3A_13, %scan3A_11 : i32
      %dma_start3A = arith.constant 0 : i32
      %dma_start3A_15 = tpu.memref_slice %arg5[%mul3A_14, %dma_start3A] : memref<256x100xi32, #tpu.memory_space<vmem>> -> memref<1x100xi32, #tpu.memory_space<vmem>>
      %dma_start3A_16 = tpu.memref_squeeze %dma_start3A_15 : memref<1x100xi32, #tpu.memory_space<vmem>> -> memref<100xi32, #tpu.memory_space<vmem>>
      %dma_start3A_17 = arith.constant 0 : i32
      %dma_start3A_18 = arith.constant 0 : i32
      %dma_start3A_19 = tpu.memref_slice %arg3[%dma_start3A_17, %dma_start3A_18] : memref<1000000x64xf32, #tpu.memory_space<hbm>> -> memref<1000000x64xf32, #tpu.memory_space<hbm>>
      tpu.enqueue_indirect_dma source(%dma_start3A_19 : memref<1000000x64xf32, #tpu.memory_space<hbm>>) target(%arg6 : memref<100x64xf32, #tpu.memory_space<vmem>>) offsets(%dma_start3A_16 : memref<100xi32, #tpu.memory_space<vmem>>) semaphore(%arg9 : memref<!tpu.dma_semaphore, #tpu.memory_space<semaphore_mem>>)
      %mul3A_20 = arith.constant 2 : i32
      %mul3A_21 = arith.muli %mul3A_20, %scan3A_11 : i32
      %add3A_22 = arith.constant 1 : i32
      %add3A_23 = arith.addi %mul3A_21, %add3A_22 : i32
      %dma_start3A_24 = arith.constant 0 : i32
      %dma_start3A_25 = tpu.memref_slice %arg5[%add3A_23, %dma_start3A_24] : memref<256x100xi32, #tpu.memory_space<vmem>> -> memref<1x100xi32, #tpu.memory_space<vmem>>
      %dma_start3A_26 = tpu.memref_squeeze %dma_start3A_25 : memref<1x100xi32, #tpu.memory_space<vmem>> -> memref<100xi32, #tpu.memory_space<vmem>>
      %dma_start3A_27 = arith.constant 0 : i32
      %dma_start3A_28 = arith.constant 0 : i32
      %dma_start3A_29 = tpu.memref_slice %arg3[%dma_start3A_27, %dma_start3A_28] : memref<1000000x64xf32, #tpu.memory_space<hbm>> -> memref<1000000x64xf32, #tpu.memory_space<hbm>>
      tpu.enqueue_indirect_dma source(%dma_start3A_29 : memref<1000000x64xf32, #tpu.memory_space<hbm>>) target(%arg7 : memref<100x64xf32, #tpu.memory_space<vmem>>) offsets(%dma_start3A_26 : memref<100xi32, #tpu.memory_space<vmem>>) semaphore(%arg10 : memref<!tpu.dma_semaphore, #tpu.memory_space<semaphore_mem>>)
      %dma_wait3A = arith.constant 0 : i32
      %dma_wait3A_30 = tpu.memref_slice %arg5[%mul3A_14, %dma_wait3A] : memref<256x100xi32, #tpu.memory_space<vmem>> -> memref<1x100xi32, #tpu.memory_space<vmem>>
      %dma_wait3A_31 = tpu.memref_squeeze %dma_wait3A_30 : memref<1x100xi32, #tpu.memory_space<vmem>> -> memref<100xi32, #tpu.memory_space<vmem>>
      %dma_wait3A_32 = arith.constant 0 : i32
      %dma_wait3A_33 = arith.constant 0 : i32
      %dma_wait3A_34 = tpu.memref_slice %arg3[%dma_wait3A_32, %dma_wait3A_33] : memref<1000000x64xf32, #tpu.memory_space<hbm>> -> memref<1000000x64xf32, #tpu.memory_space<hbm>>
      tpu.wait_indirect_dma semaphore(%arg9 : memref<!tpu.dma_semaphore, #tpu.memory_space<semaphore_mem>>) src(%dma_wait3A_34 : memref<1000000x64xf32, #tpu.memory_space<hbm>>) dst(%arg6 : memref<100x64xf32, #tpu.memory_space<vmem>>)
      %dma_wait3A_35 = arith.constant 0 : i32
      %dma_wait3A_36 = tpu.memref_slice %arg5[%add3A_23, %dma_wait3A_35] : memref<256x100xi32, #tpu.memory_space<vmem>> -> memref<1x100xi32, #tpu.memory_space<vmem>>
      %dma_wait3A_37 = tpu.memref_squeeze %dma_wait3A_36 : memref<1x100xi32, #tpu.memory_space<vmem>> -> memref<100xi32, #tpu.memory_space<vmem>>
      %dma_wait3A_38 = arith.constant 0 : i32
      %dma_wait3A_39 = arith.constant 0 : i32
      %dma_wait3A_40 = tpu.memref_slice %arg3[%dma_wait3A_38, %dma_wait3A_39] : memref<1000000x64xf32, #tpu.memory_space<hbm>> -> memref<1000000x64xf32, #tpu.memory_space<hbm>>
      tpu.wait_indirect_dma semaphore(%arg10 : memref<!tpu.dma_semaphore, #tpu.memory_space<semaphore_mem>>) src(%dma_wait3A_40 : memref<1000000x64xf32, #tpu.memory_space<hbm>>) dst(%arg7 : memref<100x64xf32, #tpu.memory_space<vmem>>)
      %broadcast_in_dim3A = arith.constant 0.000000e+00 : f32
      %broadcast_in_dim3A_41 = vector.broadcast %broadcast_in_dim3A : f32 to vector<16xf32>
      %broadcast_in_dim3A_42 = arith.constant 0.000000e+00 : f32
      %broadcast_in_dim3A_43 = vector.broadcast %broadcast_in_dim3A_42 : f32 to vector<16xf32>
      %broadcast_in_dim3A_44 = arith.constant 0.000000e+00 : f32
      %broadcast_in_dim3A_45 = vector.broadcast %broadcast_in_dim3A_44 : f32 to vector<16xf32>
      %broadcast_in_dim3A_46 = arith.constant 0.000000e+00 : f32
      %broadcast_in_dim3A_47 = vector.broadcast %broadcast_in_dim3A_46 : f32 to vector<16xf32>
      %scan3A_48 = arith.constant 0 : i32
      %scan3A_49 = arith.constant 100 : i32
      %scan3A_50 = arith.addi %scan3A_48, %scan3A_49 : i32
      %scan3A_51 = arith.constant 1 : i32
      %scan3A_52:4 = scf.for %scan3A_86 = %scan3A_48 to %scan3A_50 step %scan3A_51 iter_args(%scan3A_87 = %broadcast_in_dim3A_41, %scan3A_88 = %broadcast_in_dim3A_43, %scan3A_89 = %broadcast_in_dim3A_45, %scan3A_90 = %broadcast_in_dim3A_47) -> (vector<16xf32>, vector<16xf32>, vector<16xf32>, vector<16xf32>)  : i32 {
        %get3A = arith.index_cast %scan3A_86 : i32 to index
        %get3A_91 = arith.constant 0 : index
        %get3A_92 = tpu.vector_load %arg6[%get3A, %get3A_91] {strides = array<i32>} : memref<100x64xf32, #tpu.memory_space<vmem>>, vector<1x16xf32>,
        %get3A_93 = vector.shape_cast %get3A_92 : vector<1x16xf32> to vector<16xf32>
        %add3A_94 = arith.addf %scan3A_87, %get3A_93 : vector<16xf32>
        %get3A_95 = arith.index_cast %scan3A_86 : i32 to index
        %get3A_96 = arith.constant 0 : index
        %get3A_97 = tpu.vector_load %arg7[%get3A_95, %get3A_96] {strides = array<i32>} : memref<100x64xf32, #tpu.memory_space<vmem>>, vector<1x16xf32>,
        %get3A_98 = vector.shape_cast %get3A_97 : vector<1x16xf32> to vector<16xf32>
        %add3A_99 = arith.addf %add3A_94, %get3A_98 : vector<16xf32>
        %get3A_100 = arith.index_cast %scan3A_86 : i32 to index
        %get3A_101 = arith.constant 16 : index
        %get3A_102 = tpu.vector_load %arg6[%get3A_100, %get3A_101] {strides = array<i32>} : memref<100x64xf32, #tpu.memory_space<vmem>>, vector<1x16xf32>,
        %get3A_103 = vector.shape_cast %get3A_102 : vector<1x16xf32> to vector<16xf32>
        %add3A_104 = arith.addf %scan3A_88, %get3A_103 : vector<16xf32>
        %get3A_105 = arith.index_cast %scan3A_86 : i32 to index
        %get3A_106 = arith.constant 16 : index
        %get3A_107 = tpu.vector_load %arg7[%get3A_105, %get3A_106] {strides = array<i32>} : memref<100x64xf32, #tpu.memory_space<vmem>>, vector<1x16xf32>,
        %get3A_108 = vector.shape_cast %get3A_107 : vector<1x16xf32> to vector<16xf32>
        %add3A_109 = arith.addf %add3A_104, %get3A_108 : vector<16xf32>
        %get3A_110 = arith.index_cast %scan3A_86 : i32 to index
        %get3A_111 = arith.constant 32 : index
        %get3A_112 = tpu.vector_load %arg6[%get3A_110, %get3A_111] {strides = array<i32>} : memref<100x64xf32, #tpu.memory_space<vmem>>, vector<1x16xf32>,
        %get3A_113 = vector.shape_cast %get3A_112 : vector<1x16xf32> to vector<16xf32>
        %add3A_114 = arith.addf %scan3A_89, %get3A_113 : vector<16xf32>
        %get3A_115 = arith.index_cast %scan3A_86 : i32 to index
        %get3A_116 = arith.constant 32 : index
        %get3A_117 = tpu.vector_load %arg7[%get3A_115, %get3A_116] {strides = array<i32>} : memref<100x64xf32, #tpu.memory_space<vmem>>, vector<1x16xf32>,
        %get3A_118 = vector.shape_cast %get3A_117 : vector<1x16xf32> to vector<16xf32>
        %add3A_119 = arith.addf %add3A_114, %get3A_118 : vector<16xf32>
        %get3A_120 = arith.index_cast %scan3A_86 : i32 to index
        %get3A_121 = arith.constant 48 : index
        %get3A_122 = tpu.vector_load %arg6[%get3A_120, %get3A_121] {strides = array<i32>} : memref<100x64xf32, #tpu.memory_space<vmem>>, vector<1x16xf32>,
        %get3A_123 = vector.shape_cast %get3A_122 : vector<1x16xf32> to vector<16xf32>
        %add3A_124 = arith.addf %scan3A_90, %get3A_123 : vector<16xf32>
        %get3A_125 = arith.index_cast %scan3A_86 : i32 to index
        %get3A_126 = arith.constant 48 : index
        %get3A_127 = tpu.vector_load %arg7[%get3A_125, %get3A_126] {strides = array<i32>} : memref<100x64xf32, #tpu.memory_space<vmem>>, vector<1x16xf32>,
        %get3A_128 = vector.shape_cast %get3A_127 : vector<1x16xf32> to vector<16xf32>
        %add3A_129 = arith.addf %add3A_124, %get3A_128 : vector<16xf32>
        scf.yield %add3A_99, %add3A_109, %add3A_119, %add3A_129 : vector<16xf32>, vector<16xf32>, vector<16xf32>, vector<16xf32>
      }
      %scan3A_53 = arith.constant 100 : i32
      %mul3A_54 = arith.constant 5.000000e-03 : f32
      %mul3A_55 = vector.broadcast %mul3A_54 : f32 to vector<16xf32>
      %mul3A_56 = arith.mulf %scan3A_52#0, %mul3A_55 : vector<16xf32>
      %swap3A = arith.index_cast %scan3A_11 : i32 to index
      %swap3A_57 = arith.constant 0 : index
      %swap3A_58 = tpu.vector_load %arg8[%swap3A, %swap3A_57] {strides = array<i32>} : memref<128x64xf32, #tpu.memory_space<vmem>>, vector<1x16xf32>,
      %swap3A_59 = vector.shape_cast %swap3A_58 : vector<1x16xf32> to vector<16xf32>
      %swap3A_60 = vector.shape_cast %mul3A_56 : vector<16xf32> to vector<1x16xf32>
      tpu.vector_store %arg8[%swap3A, %swap3A_57], %swap3A_60 {strides = array<i32>} : memref<128x64xf32, #tpu.memory_space<vmem>>, vector<1x16xf32>,
      %mul3A_61 = arith.constant 5.000000e-03 : f32
      %mul3A_62 = vector.broadcast %mul3A_61 : f32 to vector<16xf32>
      %mul3A_63 = arith.mulf %scan3A_52#1, %mul3A_62 : vector<16xf32>
      %swap3A_64 = arith.index_cast %scan3A_11 : i32 to index
      %swap3A_65 = arith.constant 16 : index
      %swap3A_66 = tpu.vector_load %arg8[%swap3A_64, %swap3A_65] {strides = array<i32>} : memref<128x64xf32, #tpu.memory_space<vmem>>, vector<1x16xf32>,
      %swap3A_67 = vector.shape_cast %swap3A_66 : vector<1x16xf32> to vector<16xf32>
      %swap3A_68 = vector.shape_cast %mul3A_63 : vector<16xf32> to vector<1x16xf32>
      tpu.vector_store %arg8[%swap3A_64, %swap3A_65], %swap3A_68 {strides = array<i32>} : memref<128x64xf32, #tpu.memory_space<vmem>>, vector<1x16xf32>,
      %mul3A_69 = arith.constant 5.000000e-03 : f32
      %mul3A_70 = vector.broadcast %mul3A_69 : f32 to vector<16xf32>
      %mul3A_71 = arith.mulf %scan3A_52#2, %mul3A_70 : vector<16xf32>
      %swap3A_72 = arith.index_cast %scan3A_11 : i32 to index
      %swap3A_73 = arith.constant 32 : index
      %swap3A_74 = tpu.vector_load %arg8[%swap3A_72, %swap3A_73] {strides = array<i32>} : memref<128x64xf32, #tpu.memory_space<vmem>>, vector<1x16xf32>,
      %swap3A_75 = vector.shape_cast %swap3A_74 : vector<1x16xf32> to vector<16xf32>
      %swap3A_76 = vector.shape_cast %mul3A_71 : vector<16xf32> to vector<1x16xf32>
      tpu.vector_store %arg8[%swap3A_72, %swap3A_73], %swap3A_76 {strides = array<i32>} : memref<128x64xf32, #tpu.memory_space<vmem>>, vector<1x16xf32>,
      %mul3A_77 = arith.constant 5.000000e-03 : f32
      %mul3A_78 = vector.broadcast %mul3A_77 : f32 to vector<16xf32>
      %mul3A_79 = arith.mulf %scan3A_52#3, %mul3A_78 : vector<16xf32>
      %swap3A_80 = arith.index_cast %scan3A_11 : i32 to index
      %swap3A_81 = arith.constant 48 : index
      %swap3A_82 = tpu.vector_load %arg8[%swap3A_80, %swap3A_81] {strides = array<i32>} : memref<128x64xf32, #tpu.memory_space<vmem>>, vector<1x16xf32>,
      %swap3A_83 = vector.shape_cast %swap3A_82 : vector<1x16xf32> to vector<16xf32>
      %swap3A_84 = vector.shape_cast %mul3A_79 : vector<16xf32> to vector<1x16xf32>
      tpu.vector_store %arg8[%swap3A_80, %swap3A_81], %swap3A_84 {strides = array<i32>} : memref<128x64xf32, #tpu.memory_space<vmem>>, vector<1x16xf32>,
      %scan3A_85 = arith.constant 0 : i32
      scf.yield %scan3A_85 : i32
    }
    %scan3A_10 = arith.constant 128 : i32
    "tpu.region"() ({
      %run_scoped3A = tpu.sem_alloc : memref<!tpu.dma_semaphore, #tpu.memory_space<semaphore_mem>>
      %dma_start3A = arith.constant 0 : i32
      %dma_start3A_11 = tpu.memref_slice %arg4[%mul3A_2, %dma_start3A] : memref<4096x64xf32, #tpu.memory_space<hbm>> -> memref<128x64xf32, #tpu.memory_space<hbm>>
      %dma_start3A_12 = arith.constant 0 : i32
      %dma_start3A_13 = tpu.memref_slice %arg4[%mul3A_2, %dma_start3A_12] : memref<4096x64xf32, #tpu.memory_space<hbm>> -> memref<128x64xf32, #tpu.memory_space<hbm>>
      tpu.enqueue_dma source(%arg8 : memref<128x64xf32, #tpu.memory_space<vmem>>) target(%dma_start3A_13 : memref<128x64xf32, #tpu.memory_space<hbm>>) target_semaphore(%run_scoped3A : memref<!tpu.dma_semaphore, #tpu.memory_space<semaphore_mem>>)
      %dma_wait3A = arith.constant 0 : i32
      %dma_wait3A_14 = tpu.memref_slice %arg4[%mul3A_2, %dma_wait3A] : memref<4096x64xf32, #tpu.memory_space<hbm>> -> memref<128x64xf32, #tpu.memory_space<hbm>>
      %dma_wait3A_15 = arith.constant 0 : i32
      %dma_wait3A_16 = tpu.memref_slice %arg4[%mul3A_2, %dma_wait3A_15] : memref<4096x64xf32, #tpu.memory_space<hbm>> -> memref<128x64xf32, #tpu.memory_space<hbm>>
      tpu.wait_dma2 semaphore(%run_scoped3A : memref<!tpu.dma_semaphore, #tpu.memory_space<semaphore_mem>>) src(%arg8 : memref<128x64xf32, #tpu.memory_space<vmem>>) dst(%dma_wait3A_16 : memref<128x64xf32, #tpu.memory_space<hbm>>)
      tpu.yield
    }) : () -> ()
    return
  }
}

module attributes {stable_mosaic.version = 14 : i64} {
  func.func @_proj_body(%arg0: memref<4096x64xf32, #tpu.memory_space<vmem>>, %arg1: memref<2x64xf32, #tpu.memory_space<vmem>>, %arg2: memref<1x2xf32, #tpu.memory_space<vmem>>, %arg3: memref<4096x2xf32, #tpu.memory_space<vmem>>) attributes {dimension_semantics = [], scalar_prefetch = 0 : i64, scratch_operands = 0 : i64, tpu.core_type = #tpu.core_type<tc>} {
    %get3A = arith.constant 0 : index
    %get3A_0 = arith.constant 0 : index
    %get3A_1 = vector.load %arg0[%get3A, %get3A_0] : memref<4096x64xf32, #tpu.memory_space<vmem>>, vector<4096x64xf32>
    %get3A_2 = arith.constant 0 : index
    %get3A_3 = arith.constant 0 : index
    %get3A_4 = vector.load %arg1[%get3A_2, %get3A_3] : memref<2x64xf32, #tpu.memory_space<vmem>>, vector<2x64xf32>
    %dot_general3A = arith.constant dense<0.000000e+00> : vector<4096x2xf32>
    %dot_general3A_5 = tpu.matmul %get3A_1, %get3A_4, %dot_general3A {dimension_numbers = #tpu.dot_dimension_numbers<[1], [1], [0], [0], [0, 0, 1, 0], [], []>, transpose_lhs_hint = false} : vector<4096x64xf32>, vector<2x64xf32>, vector<4096x2xf32> -> vector<4096x2xf32>
    %get3A_6 = arith.constant 0 : index
    %get3A_7 = arith.constant 0 : index
    %get3A_8 = vector.load %arg2[%get3A_6, %get3A_7] : memref<1x2xf32, #tpu.memory_space<vmem>>, vector<1x2xf32>
    %add3A = vector.broadcast %get3A_8 : vector<1x2xf32> to vector<4096x2xf32>
    %add3A_9 = arith.addf %dot_general3A_5, %add3A : vector<4096x2xf32>
    %swap3A = arith.constant 0 : index
    %swap3A_10 = arith.constant 0 : index
    %swap3A_11 = vector.load %arg3[%swap3A, %swap3A_10] : memref<4096x2xf32, #tpu.memory_space<vmem>>, vector<4096x2xf32>
    tpu.vector_store %arg3[%swap3A, %swap3A_10], %add3A_9 {strides = array<i32>} : memref<4096x2xf32, #tpu.memory_space<vmem>>, vector<4096x2xf32>,
    return
  }
}

</mosaic_0001>

<sc_bundles>
// kernel: kernel.4.cloned.1.call-start
scs
__scs_entry_jumppad:
0x0: {  	(pc) =	sbr.rel $0x88, $3  }
0x1: {  	(tag) =	ssettag $0x0;
	lr =	simm.s32 $0x1  }
0x2: {  	[smem:$0x3F9D] =	sst lr;
	_ =	strace $0xD0000000  }
0x3: {  	_ = 	snop  }
0x4: {  	_ = 	snop  }
0x5: {  	_ = 	snop  }
0x6: {  	_ = 	snop  }
0x7: {  	_ = 	snop  }
__scs_overlays_trampoline_lowered:
0x8: {  	[smem:$0x3FAC] =	sst s0  }
0x9: {  	[smem:$0x3FAD] =	sst s1  }
0xa: {  	[smem:$0x3FAE] =	sst s2  }
0xb: {  	[smem:$0x3FAF] =	sst s3  }
0xc: {  	[smem:$0x3FB0] =	sst s4  }
0xd: {  	[smem:$0x3FB1] =	sst s5  }
0xe: {  	[smem:$0x3FB2] =	sst s6  }
0xf: {  	[smem:$0x3FB3] =	sst s7  }
0x10: {  	[smem:$0x3FB4] =	sst s8  }
0x11: {  	[smem:$0x3FB5] =	sst s9;
	s0 =	simm.s32 @!p0 $0x0  }
0x12: {  	s1 =	sld [smem:$0x3F9B];
	s0 =	simm.s32 @p0 $0x1  }
0x13: {  	[smem:$0x3FB6] =	sst s0;
	s0 =	simm.s32 @!p1 $0x0  }
0x14: {  	s2 =	sld [smem:$0x3F9A];
	s0 =	simm.s32 @p1 $0x1  }
0x15: {  	[smem:$0x3FB7] =	sst s0;
	s0 =	simm.s32 @!p2 $0x0  }
0x16: {  	s3 =	sld [smem:$0x3FDB];
	s0 =	simm.s32 @p2 $0x1  }
0x17: {  	s4 =	simm.s32 $0x1BF5;
	[smem:$0x3FB9] =	sst s0  }
0x18: {  	s0 =	sld [smem:$0x3F9C];
	_ =	swait.ge [sflag:s4], $0x0  }
0x19: {  	s7 =	sld [smem:$0x3F9D]  }
0x1a: {  	s8 =	sadd.s32 $0xFFFFE003, lr  }
0x1b: {  	s9 =	sadd.s32 $0xFFFFFEF7, lr;
	s5 =	simm.s32 $0xFFFFFFFF;
	p2 =	slt.u32 s8, $0xFFFFF086  }
0x1c: {  	p1 =	slt.u32 s9, $0xF7A;
	s5 =	simm.s32 @!p2 $0x0  }
0x1d: {  	s5 =	simm.s32 @p1 $0x1;
	p0 =	seq.s32 s7, s2  }
0x1e: {  	s7 =	smul.u32 @!p0 $0xF7A, s2;
	p2 =	seq.s32 @!p0 s5, $0x0  }
0x1f: {  	s9 =	smul.u32 $0xF7A, s1;
	s8 =	simm.s32 @!p0 $0x1BF5;
	p2 =	por !p2, p0  }
0x20: {  	[sflag:s8] =	ssyncset.s32 @!p0 $0xFFFFF086;
	s6 =	sadd.s32 @!p0 s3, s7;
	s7 =	simm.s32 @!p0 $0x108  }
0x21: {  	s3 =	sadd.s32 s3, s9;
	s6 =	sadd.s32 @!p0 $0x88, s6;
	s7 =	simm.s32 @p2 $0x1082  }
0x22: {  	[simem:s7], [sflag:s8] =	dma.local @!p0 [hbm:s6], $0xF7A  }
0x23: {  	s9 =	sor.u32 $0xD0000000, s2;
	s6 =	simm.s32 $0x108;
	_ =	swait.ge @!p0 [sflag:s8], $0x0  }
0x24: {  	s3 =	sadd.s32 $0x88, s3;
	s6 =	simm.s32 @!p1 $0x1082;
	[sflag:s4] =	ssyncset.s32 $0xFFFFF086  }
0x25: {  	[simem:s6], [sflag:s4] =	dma.local [hbm:s3], $0xF7A  }
0x26: {  	[smem:$0x3F9D] =	sst s1;
	(tag) =	ssettag s2;
	_ =	strace s9  }
0x27: {  	s1 =	sld [smem:$0x3FAD]  }
0x28: {  	s2 =	sld [smem:$0x3FAE]  }
0x29: {  	s4 =	sld [smem:$0x3FB0]  }
0x2a: {  	p0 =	seq.s32 s5, $0x0;
	s5 =	sld [smem:$0x3FB1]  }
0x2b: {  	s6 =	sld [smem:$0x3FB2]  }
0x2c: {  	s7 =	sld [smem:$0x3FB3]  }
0x2d: {  	s3 =	simm.s32 $0x108;
	s8 =	sld [smem:$0x3FB4]  }
0x2e: {  	s3 =	simm.s32 @!p0 $0x1082;
	s9 =	sld [smem:$0x3FB5]  }
0x2f: {  	lr =	sadd.s32 s0, s3;
	s0 =	sld [smem:$0x3FAC]  }
0x30: {  	s3 =	sld [smem:$0x3FAF]  }
0x31: {  	[smem:$0x3FB8] =	sst s10  }
0x32: {  	s10 =	sld [smem:$0x3FB6];
	_ =	sdelay $0x3  }
0x33: {  	p0 =	seq.s32 s10, $0x1;
	s10 =	sld [smem:$0x3FB8];
	_ =	sdelay $0x3  }
0x34: {  	[smem:$0x3FB8] =	sst s10  }
0x35: {  	s10 =	sld [smem:$0x3FB7];
	_ =	sdelay $0x3  }
0x36: {  	p1 =	seq.s32 s10, $0x1;
	s10 =	sld [smem:$0x3FB8];
	_ =	sdelay $0x3  }
0x37: {  	[smem:$0x3FB8] =	sst s10  }
0x38: {  	s10 =	sld [smem:$0x3FB9]  }
0x39: {  	_ = 	snop;
	(pc) =	sbr.ind lr, $3  }
0x3a: {  	_ = 	snop  }
0x3b: {  	_ = 	snop  }
0x3c: {  	p2 =	seq.s32 s10, $0x1;
	s10 =	sld [smem:$0x3FB8]  }
0x3d: {  	_ =	shalt  }
0x3e: {  	_ =	shalt  }
0x3f: {  	_ =	shalt  }
0x40: {  	_ =	shalt  }
0x41: {  	_ =	shalt  }
0x42: {  	_ =	shalt  }
0x43: {  	_ =	shalt  }
0x44: {  	_ =	shalt  }
0x45: {  	_ =	shalt  }
0x46: {  	_ =	shalt  }
0x47: {  	_ =	shalt  }
0x48: {  	_ =	shalt  }
0x49: {  	_ =	shalt  }
0x4a: {  	_ =	shalt  }
0x4b: {  	_ =	shalt  }
0x4c: {  	_ =	shalt  }
0x4d: {  	_ =	shalt  }
0x4e: {  	_ =	shalt  }
0x4f: {  	_ =	shalt  }
0x50: {  	_ =	shalt  }
0x51: {  	_ =	shalt  }
0x52: {  	_ =	shalt  }
0x53: {  	_ =	shalt  }
0x54: {  	_ =	shalt  }
0x55: {  	_ =	shalt  }
0x56: {  	_ =	shalt  }
0x57: {  	_ =	shalt  }
0x58: {  	_ =	shalt  }
0x59: {  	_ =	shalt  }
0x5a: {  	_ =	shalt  }
0x5b: {  	_ =	shalt  }
0x5c: {  	_ =	shalt  }
0x5d: {  	_ =	shalt  }
0x5e: {  	_ =	shalt  }
0x5f: {  	_ =	shalt  }
0x60: {  	_ =	shalt  }
0x61: {  	_ =	shalt  }
0x62: {  	_ =	shalt  }
0x63: {  	_ =	shalt  }
0x64: {  	_ =	shalt  }
0x65: {  	_ =	shalt  }
0x66: {  	_ =	shalt  }
0x67: {  	_ =	shalt  }
0x68: {  	_ =	shalt  }
0x69: {  	_ =	shalt  }
0x6a: {  	_ =	shalt  }
0x6b: {  	_ =	shalt  }
0x6c: {  	_ =	shalt  }
0x6d: {  	_ =	shalt  }
0x6e: {  	_ =	shalt  }
0x6f: {  	_ =	shalt  }
0x70: {  	_ =	shalt  }
0x71: {  	_ =	shalt  }
0x72: {  	_ =	shalt  }
0x73: {  	_ =	shalt  }
0x74: {  	_ =	shalt  }
0x75: {  	_ =	shalt  }
0x76: {  	_ =	shalt  }
0x77: {  	_ =	shalt  }
0x78: {  	_ =	shalt  }
0x79: {  	_ =	shalt  }
0x7a: {  	_ =	shalt  }
0x7b: {  	_ =	shalt  }
0x7c: {  	_ =	shalt  }
0x7d: {  	_ =	shalt  }
0x7e: {  	_ =	shalt  }
0x7f: {  	_ =	shalt  }
0x80: {  	_ =	shalt  }
0x81: {  	_ =	shalt  }
0x82: {  	_ =	shalt  }
0x83: {  	_ =	shalt  }
0x84: {  	_ =	shalt  }
0x85: {  	_ =	shalt  }
0x86: {  	_ =	shalt  }
0x87: {  	_ =	shalt  }
.Lfunc_end0:
.L_simem_size_0:
called_computation_lowered:
.L_overlay_start_0:
0x88: {  	s2 =	sld [smem:$0x3FD9]  }
0x89: {  	s3 =	sld [smem:$0x3FFE];
	_ =	sdelay $0x1  }
0x8a: {  	s1 =	srdreg.scid  }
0x8b: {  	s0 =	sand.u32 $0x1, s1  }
0x8c: {  	s16 =	sshll.u32 s0, $0xA;
	s2 =	sadd.s32 s3, s2  }
0x8d: {  	s2 =	sadd.s32 s2, s16  }
0x8e: {  	[smem:$0x3FC4] =	sst s2  }
0x8f: {  	_ = 	snop  }
0x90: {  	(tm) =	ssettm $0x1  }
0x91: {  	s17 =	sld [smem:$0x3FFB];
	_ =	sdelay $0x3  }
0x92: {  	_ =	strace s17  }
0x93: {  	s2 =	sld [smem:$0x3FFC];
	_ =	sdelay $0x3  }
0x94: {  	_ =	strace s2  }
0x95: {  	s2 =	sld [smem:$0x3FFD];
	_ =	sdelay $0x3  }
0x96: {  	_ =	strace s2  }
0x97: {  	_ =	strace $0x8FFFFFFF  }
0x98: {  	s18 =	sld [smem:$0x3FDB];
	_ =	sdelay $0x1  }
0x99: {  	s19 =	simm.s32 $_scs_section_size  }
0x9a: {  	s4 =	simm.s32 $_size__tile_overlayer_lowered;
	s5 =	simm.s32 $_tile_overlayer_lowered  }
0x9b: {  	s22 =	simm.s32 $0x1BFF;
	s21 =	sshll.u32 s5, $0x1;
	s2 =	sadd.s32 s19, s18  }
0x9c: {  	s6 =	simm.s32 $0x0;
	s20 =	sshll.u32 s4, $0x1;
	s4 =	sadd.s32 s21, s2  }
0x9d: {  	[timem:s6], [sflag:s22] =	dma.local [hbm:s4], s20  }
0x9e: {  	_ =	swait.ge [sflag:s22], s20  }
0x9f: {  	s3 =	ssub.s32 $0x0, s20;
	[sflag:s22] =	ssyncset.done $0x0  }
0xa0: {  	[sflag:s22] =	ssyncadd.s32 s3;
	_ =	sdelay $0x1  }
0xa1: {  	s23 =	simm.s32 $0x1B8B  }
0xa2: {  	_ =	swait.ge [sflag:s23], $0x1  }
0xa3: {  	[sflag:s23] =	ssyncset.done $0x0  }
0xa4: {  	s25 =	simm.s32 $0x1B8E;
	s24 =	sld [smem:$0x3FFE];
	[sflag:s23] =	ssyncadd.s32 $0xFFFFFFFF  }
0xa5: {  	s26 =	simm.s32 $execute0_lowered;
	[smem:$0x3FD2] =	sst s25  }
0xa6: {  	s4 =	sshll.u32 s26, $0x1;
	_ =	strace $0x80000046;
	[dreg:$0x1] =	wrdreg $0xFFFFFFFF  }
0xa7: {  	s28 =	simm.s32 $_size_execute0_lowered;
	s2 =	sadd.s32 s2, s4;
	[dreg:$0x0] =	wrdreg $0x0  }
0xa8: {  	s4 =	sshll.u32 s28, $0x1;
	[dreg:$0x2] =	wrdreg s2  }
0xa9: {  	[dreg:$0x3] =	wrdreg s4  }
0xaa: {  	[dreg:$0x4] =	wrdreg $0xC0  }
0xab: {  	_ =	task [dreg:s6], $0x5FFFF  }
0xac: {  	[dreg:$0x1] =	wrdreg $0xFFFFFFFF  }
0xad: {  	[dreg:$0x0] =	wrdreg $0x60  }
0xae: {  	[dreg:$0x2] =	wrdreg s24  }
0xaf: {  	[dreg:$0x3] =	wrdreg $0x9  }
0xb0: {  	_ =	task.clear_ibuf [dreg:s6], $0x4FFFF;
	_ =	strace $0x90000046  }
0xb1: {  	s29 =	simm.s32 $0x9;
	_ =	strace $0x80000048  }
0xb2: {  	_ =	swait.ge [sflag:s29], $0x1  }
0xb3: {  	[sflag:s29] =	ssyncadd.s32 $0xFFFFFFFF  }
0xb4: {  	_ =	strace $0x90000048  }
0xb5: {  	_ =	sfence  }
0xb6: {  	s30 =	sld [smem:$0x0];
	_ =	sdelay $0x2  }
0xb7: {  	s31 =	sshll.u32 s1, $0xD;
	s1 =	sshrl.u32 s1, $0x2  }
0xb8: {  	s3 =	sand.u32 $0x4000, s31;
	s1 =	sadd.s32 s1, s30  }
0xb9: {  	s0 =	sor.u32 s3, s0;
	s1 =	sshll.u32 s1, $0x11  }
0xba: {  	s0 =	sor.u32 s1, s0  }
0xbb: {  	s0 =	sadd.s32 $0x8F2B, s0  }
0xbc: {  	[sflag:s0] =	ssyncadd.remote.s32 $0x1  }
0xbd: {  	_ =	sfence.sel $0xFFFF  }
0xbe: {  	[dreg:$0x0] =	wrdreg $0xFFFFFFFF;
	(pc) =	sbr.abs _section_cstart, $3  }
0xbf: {  	[dreg:$0x1] =	wrdreg $0xFFFFFFFF  }
0xc0: {  	_ =	task.clear_ibuf [dreg:s6], $0x2FFFF;
	_ =	strace $0x9FFFFFFF  }
0xc1: {  	(tm) =	ssettm $0x7FFFFFFF  }
tec
execute0_lowered:
.L_overlay_start_1:
0x0: {  	(tag) =	ssettag $0x1  }
0x1: {  	s1 =	srdreg.scid;
	s0 =	stileid.u32  }
0x2: {  	s4 =	rddreg [dreg:$0x0];
	s2 =	simm.s32 $0x0;
	s8 =	simm.s32 $0x64  }
0x3: {  	s9 =	simm.s32 $0x6800;
	s10 =	simm.s32 $0x8100;
	s11 =	simm.s32 $0x1  }
0x4: {  	s12 =	simm.s32 $0x2;
	s13 =	simm.s32 $0x9A00;
	s14 =	simm.s32 $0x0  }
0x5: {  	s3 =	sand.u32 $0x1, s1;
	s5 =	sshll.u32 s0, $0x1;
	[smem:$0x7FF] =	sst s2  }
0x6: {  	s1 =	rddreg [dreg:$0x1];
	s5 =	sor.u32 s3, s5;
	_ =	strace $0x80000047  }
0x7: {  	s7 =	ssub.s32 $0x2, s3;
	s6 =	smul.u32 $0xD00, s5;
	s5 =	sshll.u32 s5, $0xA  }
0x8: {  	s3 =	sadd.s32 $0xF42E00, s4;
	s31 =	sshrl.u32 s7, $0x1;
	s5 =	sadd.s32 s5, s4  }
0x9: {  	s7 =	ssub.s32 s7, s31;
	s6 =	sadd.s32 s6, s4;
	s5 =	sadd.s32 $0x1AA00, s5  }
0xa: {  	s4 =	sadd.s32 $0xA00, s6;
	s6 =	smax.u32 s7, $0x1;
	s7 =	simm.s32 $0x3  }
.LBB2_1:
0xb: {  	[tilespmem:s2], [sflag:$0x3] =	stream.linear.gather [hbm4b:s4+s2], $0x6800, $0x38;
	[tilespmem:$0xBA00] =	vst v63  }
0xc: {  	_ =	swait.ge [sflag:s7], $0x6800  }
0xd: {  	[sflag:s7] =	ssyncset.done $0x0  }
0xe: {  	s15 =	simm.s32 $0x0;
	[sflag:s7] =	ssyncadd.s32 $0xFFFF9800  }
.LBB2_2:
0xf: {  	s16 =	smul.u32 $0x340, s15;
	_ =	sdelay $0x1  }
0x10: {  	s16 =	sshra.s32 s16, $0x2  }
0x11: {  	[tilespmem:s9], [sflag:$0x1] =	stream.indirect.gather [hbm4b:s3+s8], $0x40, s16, s8, $0xb8;
	[tilespmem:$0xBA00] =	vst v63  }
0x12: {  	s16 =	sadd.s32 $0x68, s16  }
0x13: {  	[tilespmem:s10], [sflag:$0x2] =	stream.indirect.gather [hbm4b:s3+s8], $0x40, s16, s8, $0xb8;
	[tilespmem:$0xBA00] =	vst v63  }
0x14: {  	_ =	swait.ge [sflag:s11], $0x1900  }
0x15: {  	[sflag:s11] =	ssyncset.done $0x0  }
0x16: {  	[sflag:s11] =	ssyncadd.s32 $0xFFFFE700  }
0x17: {  	_ =	swait.ge [sflag:s12], $0x1900  }
0x18: {  	[sflag:s12] =	ssyncset.done $0x0  }
0x19: {  	s16 =	simm.s32 $0x0;
	[sflag:s12] =	ssyncadd.s32 $0xFFFFE700  }
0x1a: {  	v1 =	vld [tilespmem:s16+$0x8100]  }
0x1b: {  	v0 =	vld [tilespmem:s16+$0x8110]  }
0x1c: {  	v2 =	vld [tilespmem:s16+$0x6800]  }
0x1d: {  	v5 =	vimm.f32 $0.0e+00;
	v3 =	vld [tilespmem:s16+$0x6810]  }
0x1e: {  	s17 =	simm.s32 $0x100;
	v6 =	vimm.f32 $0.0e+00;
	v8 =	vimm.f32 $0.0e+00;
	v7 =	vimm.f32 $0.0e+00;
	v4 =	vld [tilespmem:s16+$0x6820]  }
.LBB2_3:
0x1f: {  	p0 =	sne.s32 s17, $0x6300;
	v9 =	vld [tilespmem:s16+$0x6830];
	v10 =	vmov v1  }
0x20: {  	v11 =	vld [tilespmem:s16+$0x8120];
	v12 =	vmov v0  }
0x21: {  	v13 =	vld [tilespmem:s16+$0x8130];
	s16 =	sshra.s32 s17, $0x2  }
.Ltmp0:
0x22: {  	v1 =	vld [tilespmem:s16+$0x8100];
	(pc) =	sbr.rel @p0 .LBB2_3-.Ltmp0, $4  }
0x23: {  	v5 =	vadd.f32 v2, v5;
	v6 =	vadd.f32 v3, v6;
	v0 =	vld [tilespmem:s16+$0x8110]  }
0x24: {  	v8 =	vadd.f32 v4, v8;
	v2 =	vld [tilespmem:s16+$0x6800];
	v7 =	vadd.f32 v9, v7  }
0x25: {  	v5 =	vadd.f32 v10, v5;
	v6 =	vadd.f32 v12, v6;
	v3 =	vld [tilespmem:s16+$0x6810]  }
0x26: {  	s17 =	sadd.s32 $0x100, s17;
	v8 =	vadd.f32 v11, v8;
	v4 =	vld [tilespmem:s16+$0x6820];
	v7 =	vadd.f32 v13, v7  }
0x27: {  	v9 =	vld [tilespmem:s16+$0x6830]  }
0x28: {  	v10 =	vld [tilespmem:s16+$0x8120]  }
0x29: {  	v11 =	vld [tilespmem:s16+$0x8130];
	v2 =	vadd.f32 v2, v5  }
0x2a: {  	v3 =	vadd.f32 v3, v6  }
0x2b: {  	v4 =	vadd.f32 v4, v8;
	v1 =	vadd.f32 v1, v2  }
0x2c: {  	s31 =	sshll.u32 s15, $0x6;
	s15 =	sadd.s32 $0x1, s15;
	v60 =	vadd.f32 v9, v7;
	v0 =	vadd.f32 v0, v3  }
0x2d: {  	p0 =	sne.s32 s15, $0x80;
	v61 =	vadd.f32 v10, v4;
	v1 =	vmul.f32 $4.999999890e-03, v1  }
.Ltmp1:
0x2e: {  	s16 =	sand.u32 $0x3FFFFFC0, s31;
	v2 =	vadd.f32 v11, v60;
	v0 =	vmul.f32 $4.999999890e-03, v0;
	(pc) =	sbr.rel @p0 .LBB2_2-.Ltmp1, $4  }
0x2f: {  	[tilespmem:s16+$0x9A00] =	vst v1;
	v62 =	vmul.f32 $4.999999890e-03, v61  }
0x30: {  	[tilespmem:s16+$0x9A10] =	vst v0;
	v63 =	vmul.f32 $4.999999890e-03, v2  }
0x31: {  	[tilespmem:s16+$0x9A20] =	vst v62  }
0x32: {  	[tilespmem:s16+$0x9A30] =	vst v63  }
0x33: {  	s14 =	sadd.s32 $0x1, s14  }
0x34: {  	p0 =	sne.s32 s14, s6  }
.Ltmp2:
0x35: {  	_ = 	snop;
	(pc) =	sbr.rel @p0 .LBB2_1-.Ltmp2, $4  }
0x36: {  	[hbm4b:s5+s2] =	stream.linear.scatter [tilespmem:s13], [sflag:$0x3], $0x2000, $0x38;
	[tilespmem:$0xBA00] =	vst v63  }
0x37: {  	_ =	swait.ge [sflag:s7], $0x2000  }
0x38: {  	[sflag:s7] =	ssyncset.done $0x0  }
0x39: {  	[sflag:s7] =	ssyncadd.s32 $0xFFFFE000  }
0x3a: {  	_ =	sfence.sel $0x180000  }
0x3b: {  	[bflag:$0x0] =	sbarrier.arrive $0xFFFF  }
0x3c: {  	p0 =	sne.s32 s0, $0x0;
	_ =	strace $0x90000047  }
0x3d: {  	s0 =	sadd.s32 @!p0 $0x100000, s1;
	[bflag:$0x2] =	sbarrier.arrive $0xFFFF  }
0x3e: {  	[sflag:s0] =	ssyncadd.tile.s32 @!p0 $0x1;
	_ =	shalt  }
.Lfunc_end2:
_tile_overlayer_lowered:
.L_overlay_start_2:
0x3f: {  	(tag) =	ssettag $0x2  }
0x40: {  	s0 =	rddreg [dreg:$0x0];
	s2 =	stileid.u32  }
0x41: {  	s1 =	rddreg [dreg:$0x1];
	p0 =	sne.s32 s2, $0x0  }
0x42: {  	s3 =	rddreg [dreg:$0x2];
	[bflag:$0x3] =	sbarrier.arrive $0xFFFF;
	s2 =	simm.s32 @!p0 $0x1C03  }
0x43: {  	[timem:s3], [sflag:s2] =	dma.local @!p0 [hbm:s0], s1  }
0x44: {  	s0 =	simm.s32 @!p0 $0x3  }
0x45: {  	_ =	swait.ge @!p0 [sflag:s0], s1  }
0x46: {  	s1 =	ssub.s32 @!p0 $0x0, s1;
	[sflag:s0] =	ssyncset.done @!p0 $0x0  }
0x47: {  	[sflag:s0] =	ssyncadd.s32 @!p0 s1  }
0x48: {  	[bflag:$0x3] =	sbarrier.arrive $0xFFFF  }
0x49: {  	_ =	shalt  }

</sc_bundles>
